<compile_context>
chip_gen: v7x
topology: tpu7x:2x2x1
jax: 0.10.2.dev20260603
libtpu: 0.0.44.dev20260713+nightly
codegen_flags: <defaults>
</compile_context>

<pallas_src>
import functools

import jax
import jax.numpy as jnp
from jax import lax
from jax.experimental import pallas as pl
from jax.experimental.pallas import tpu as pltpu
from jax.experimental.pallas import tpu_sc as plsc

N_NODES = 10000
N_EDGES = 160000
D_IN = 256
D_OUT = 256
HALF = D_OUT // 2

RB = 1000

N_SUB = 16
E_PER_SUB = N_EDGES // N_SUB
CH = 128
N_FULL = E_PER_SUB // CH
TAIL = E_PER_SUB - N_FULL * CH
ROWS_PER_SUB = 624
ROWS_TAIL = N_NODES - N_SUB * ROWS_PER_SUB


def _matmul_body(x_ref, wt_ref, b_ref, h2_ref):
    h2_ref[...] = (
        jnp.dot(x_ref[...], wt_ref[...], preferred_element_type=jnp.float32)
        + b_ref[...]
    )


def _matmul_halves(x, wt, b2):
    grid = (N_NODES // RB, 2)
    return pl.pallas_call(
        _matmul_body,
        grid=grid,
        in_specs=[
            pl.BlockSpec((RB, D_IN), lambda i, j: (i, 0)),
            pl.BlockSpec((D_IN, HALF), lambda i, j: (0, j)),
            pl.BlockSpec((1, HALF), lambda i, j: (0, j)),
        ],
        out_specs=pl.BlockSpec(
            (RB, HALF), lambda i, j: (j * (N_NODES // RB) + i, 0)
        ),
        out_shape=jax.ShapeDtypeStruct((2 * N_NODES, HALF), jnp.float32),
    )(x, wt, b2)


def _scatter_add(h2, src, dst):
    mesh = plsc.VectorSubcoreMesh(core_axis_name="c", subcore_axis_name="s")

    @functools.partial(
        pl.kernel,
        out_type=jax.ShapeDtypeStruct((2 * N_NODES, HALF), jnp.float32),
        mesh=mesh,
        scratch_types=[
            pltpu.VMEM((CH,), jnp.int32),
            pltpu.VMEM((CH,), jnp.int32),
            pltpu.VMEM((CH, HALF), jnp.float32),
            pltpu.VMEM((TAIL,), jnp.int32),
            pltpu.VMEM((TAIL,), jnp.int32),
            pltpu.VMEM((TAIL, HALF), jnp.float32),
            pltpu.VMEM_SHARED((N_NODES, HALF), jnp.float32),
            pltpu.SemaphoreType.DMA,
        ],
    )
    def k(h2_hbm, src_hbm, dst_hbm, out_hbm,
          src_v, dst_v, rows_v, src_t, dst_t, rows_t, acc, sem):
        cid = lax.axis_index("c")
        sid = lax.axis_index("s")
        row0 = cid * N_NODES

        init_lo = sid * ROWS_PER_SUB
        pltpu.sync_copy(
            h2_hbm.at[pl.ds(row0 + init_lo, ROWS_PER_SUB)],
            acc.at[pl.ds(init_lo, ROWS_PER_SUB)],
        )

        @pl.when(sid == 0)
        def _():
            lo = N_SUB * ROWS_PER_SUB
            pltpu.sync_copy(
                h2_hbm.at[pl.ds(row0 + lo, ROWS_TAIL)],
                acc.at[pl.ds(lo, ROWS_TAIL)],
            )

        plsc.subcore_barrier()

        ebase = sid * E_PER_SUB

        def add_base(idx_ref, n):
            for i in range(n // 16):
                sl = pl.ds(i * 16, 16)
                idx_ref[sl] = idx_ref[sl] + row0

        def do_chunk(off, n, src_r, dst_r, rows_r):
            pltpu.sync_copy(src_hbm.at[pl.ds(off, n)], src_r)
            pltpu.sync_copy(dst_hbm.at[pl.ds(off, n)], dst_r)
            add_base(src_r, n)
            pltpu.async_copy(h2_hbm.at[src_r], rows_r, sem).wait()
            pltpu.sync_copy(rows_r, acc.at[dst_r], add=True)

        def body(kk, carry):
            do_chunk(ebase + kk * CH, CH, src_v, dst_v, rows_v)
            return carry

        lax.fori_loop(0, N_FULL, body, 0)
        do_chunk(ebase + N_FULL * CH, TAIL, src_t, dst_t, rows_t)

        plsc.subcore_barrier()
        pltpu.sync_copy(
            acc.at[pl.ds(init_lo, ROWS_PER_SUB)],
            out_hbm.at[pl.ds(row0 + init_lo, ROWS_PER_SUB)],
        )

        @pl.when(sid == 0)
        def _():
            lo = N_SUB * ROWS_PER_SUB
            pltpu.sync_copy(
                acc.at[pl.ds(lo, ROWS_TAIL)],
                out_hbm.at[pl.ds(row0 + lo, ROWS_TAIL)],
            )

    return k(h2, src, dst)


def kernel(x, edge_index, W, b):
    src = edge_index[0].astype(jnp.int32)
    dst = edge_index[1].astype(jnp.int32)
    h2 = _matmul_halves(x, W.T, b.reshape(1, -1))
    out2 = _scatter_add(h2, src, dst)
    return jnp.concatenate([out2[:N_NODES], out2[N_NODES:]], axis=1)

# --- scband reference (transcript-rebuilt; emitter-appended) ---
"""Pipeline reference for scband-simple-gcnlayer-77953656422870 (READ-ONLY COPY).

The authoritative reference and input builder live on the scoring server;
editing this copy changes nothing except your own understanding.
"""

import jax, jax.numpy as jnp
import numpy as np

N_NODES = 10000
N_EDGES = 160000
D_IN = 256
D_OUT = 256


def setup_inputs(seed: int = 0) -> dict:
    key = jax.random.key(seed)
    k1, k2, k3, k4 = jax.random.split(key, 4)
    x = jax.random.normal(k1, (N_NODES, D_IN), dtype=jnp.float32)
    edge_index = jax.random.randint(k2, (2, N_EDGES), 0, N_NODES, dtype=jnp.int64)
    # nn.Linear(in_features, out_features): W [out, in], b [out]
    bound = 1.0 / np.sqrt(D_IN)
    W = jax.random.uniform(k3, (D_OUT, D_IN), dtype=jnp.float32, minval=-bound, maxval=bound)
    b = jax.random.uniform(k4, (D_OUT,), dtype=jnp.float32, minval=-bound, maxval=bound)
    return {"x": x, "edge_index": edge_index, "W": W, "b": b}


def reference(x, edge_index, W, b):
    num_nodes = x.shape[0]
    loop = jnp.arange(num_nodes, dtype=edge_index.dtype)
    loop_index = jnp.stack([loop, loop], axis=0)
    edge_index = jnp.concatenate([edge_index, loop_index], axis=1)
    h = x @ W.T + b
    src = edge_index[0]
    dst = edge_index[1]
    out = jnp.zeros_like(h).at[dst].add(h[src])
    # degree computation (present in original forward, result unused)
    deg = jnp.zeros((num_nodes,), dtype=h.dtype).at[dst].add(
        jnp.ones((edge_index.shape[1],), dtype=h.dtype))
    deg_inv_sqrt = jnp.power(deg, -0.5)
    deg_inv_sqrt = jnp.where(jnp.isinf(deg_inv_sqrt), 0.0, deg_inv_sqrt)
    return out

if __name__ == "__main__":
    import jax
    _d = setup_inputs()
    print(jax.jit(kernel)(*tuple(_d.values())))

</pallas_src>

<mosaic_0001>
#map = affine_map<(d0, d1) -> (0, 0)>
#map1 = affine_map<(d0, d1) -> (0)>
module attributes {stable_mosaic.version = 14 : i64} {
  func.func @k(%arg0: i32, %arg1: i32, %arg2: memref<20000x128xf32, #tpu.memory_space<hbm>>, %arg3: memref<160000xi32, #tpu.memory_space<hbm>>, %arg4: memref<160000xi32, #tpu.memory_space<hbm>>, %arg5: memref<20000x128xf32, #tpu.memory_space<hbm>>, %arg6: memref<128xi32, #tpu.memory_space<vmem>>, %arg7: memref<128xi32, #tpu.memory_space<vmem>>, %arg8: memref<128x128xf32, #tpu.memory_space<vmem>>, %arg9: memref<16xi32, #tpu.memory_space<vmem>>, %arg10: memref<16xi32, #tpu.memory_space<vmem>>, %arg11: memref<16x128xf32, #tpu.memory_space<vmem>>, %arg12: memref<10000x128xf32, #tpu.memory_space<vmem_shared>>, %arg13: memref<!tpu.dma_semaphore, #tpu.memory_space<semaphore_mem>>) attributes {dimension_semantics = [#tpu.dimension_semantics<core_parallel>, #tpu.dimension_semantics<subcore_parallel>], iteration_bounds = array<i64: 2, 16>, scalar_prefetch = 0 : i64, scratch_operands = 8 : i64, tpu.core_type = #tpu.core_type<sc_vector_subcore>, window_params = [{transform_indices = #map}, {transform_indices = #map1}, {transform_indices = #map1}, {transform_indices = #map}]} {
    %mul3A = arith.constant 10000 : i32
    %mul3A_0 = arith.muli %arg0, %mul3A : i32
    %mul3A_1 = arith.constant 624 : i32
    %mul3A_2 = arith.muli %arg1, %mul3A_1 : i32
    %add3A = arith.addi %mul3A_0, %mul3A_2 : i32
    "tpu.region"() ({
      %run_scoped3A = tpu.sem_alloc : memref<!tpu.dma_semaphore, #tpu.memory_space<semaphore_mem>>
      %dma_start3A_32 = arith.constant 0 : i32
      %dma_start3A_33 = tpu.memref_slice %arg12[%mul3A_2, %dma_start3A_32] : memref<10000x128xf32, #tpu.memory_space<vmem_shared>> -> memref<624x128xf32, #tpu.memory_space<vmem_shared>>
      %dma_start3A_34 = arith.constant 0 : i32
      %dma_start3A_35 = tpu.memref_slice %arg2[%add3A, %dma_start3A_34] : memref<20000x128xf32, #tpu.memory_space<hbm>> -> memref<624x128xf32, #tpu.memory_space<hbm>>
      tpu.enqueue_dma source(%dma_start3A_35 : memref<624x128xf32, #tpu.memory_space<hbm>>) target(%dma_start3A_33 : memref<624x128xf32, #tpu.memory_space<vmem_shared>>) target_semaphore(%run_scoped3A : memref<!tpu.dma_semaphore, #tpu.memory_space<semaphore_mem>>)
      %dma_wait3A_36 = arith.constant 0 : i32
      %dma_wait3A_37 = tpu.memref_slice %arg12[%mul3A_2, %dma_wait3A_36] : memref<10000x128xf32, #tpu.memory_space<vmem_shared>> -> memref<624x128xf32, #tpu.memory_space<vmem_shared>>
      %dma_wait3A_38 = arith.constant 0 : i32
      %dma_wait3A_39 = tpu.memref_slice %arg2[%add3A, %dma_wait3A_38] : memref<20000x128xf32, #tpu.memory_space<hbm>> -> memref<624x128xf32, #tpu.memory_space<hbm>>
      tpu.wait_dma2 semaphore(%run_scoped3A : memref<!tpu.dma_semaphore, #tpu.memory_space<semaphore_mem>>) src(%dma_wait3A_39 : memref<624x128xf32, #tpu.memory_space<hbm>>) dst(%dma_wait3A_37 : memref<624x128xf32, #tpu.memory_space<vmem_shared>>)
      tpu.yield
    }) : () -> ()
    %eq3A = arith.constant 0 : i32
    %eq3A_3 = arith.cmpi eq, %arg1, %eq3A : i32
    %convert_element_type3A = arith.extui %eq3A_3 : i1 to i32
    %cond3A = arith.constant 0 : i32
    %cond3A_4 = arith.cmpi ne, %convert_element_type3A, %cond3A : i32
    scf.if %cond3A_4 {
      %add3A_32 = arith.constant 9984 : i32
      %add3A_33 = arith.addi %mul3A_0, %add3A_32 : i32
      "tpu.region"() ({
        %run_scoped3A = tpu.sem_alloc : memref<!tpu.dma_semaphore, #tpu.memory_space<semaphore_mem>>
        %dma_start3A_34 = arith.constant 9984 : i32
        %dma_start3A_35 = arith.constant 0 : i32
        %dma_start3A_36 = tpu.memref_slice %arg12[%dma_start3A_34, %dma_start3A_35] : memref<10000x128xf32, #tpu.memory_space<vmem_shared>> -> memref<16x128xf32, #tpu.memory_space<vmem_shared>>
        %dma_start3A_37 = arith.constant 0 : i32
        %dma_start3A_38 = tpu.memref_slice %arg2[%add3A_33, %dma_start3A_37] : memref<20000x128xf32, #tpu.memory_space<hbm>> -> memref<16x128xf32, #tpu.memory_space<hbm>>
        tpu.enqueue_dma source(%dma_start3A_38 : memref<16x128xf32, #tpu.memory_space<hbm>>) target(%dma_start3A_36 : memref<16x128xf32, #tpu.memory_space<vmem_shared>>) target_semaphore(%run_scoped3A : memref<!tpu.dma_semaphore, #tpu.memory_space<semaphore_mem>>)
        %dma_wait3A_39 = arith.constant 9984 : i32
        %dma_wait3A_40 = arith.constant 0 : i32
        %dma_wait3A_41 = tpu.memref_slice %arg12[%dma_wait3A_39, %dma_wait3A_40] : memref<10000x128xf32, #tpu.memory_space<vmem_shared>> -> memref<16x128xf32, #tpu.memory_space<vmem_shared>>
        %dma_wait3A_42 = arith.constant 0 : i32
        %dma_wait3A_43 = tpu.memref_slice %arg2[%add3A_33, %dma_wait3A_42] : memref<20000x128xf32, #tpu.memory_space<hbm>> -> memref<16x128xf32, #tpu.memory_space<hbm>>
        tpu.wait_dma2 semaphore(%run_scoped3A : memref<!tpu.dma_semaphore, #tpu.memory_space<semaphore_mem>>) src(%dma_wait3A_43 : memref<16x128xf32, #tpu.memory_space<hbm>>) dst(%dma_wait3A_41 : memref<16x128xf32, #tpu.memory_space<vmem_shared>>)
        tpu.yield
      }) : () -> ()
    } else {
    }
    %barrier3A = arith.constant 0 : index
    tpu.barrier barrier_id(%barrier3A)
    %mul3A_5 = arith.constant 10000 : i32
    %mul3A_6 = arith.muli %arg1, %mul3A_5 : i32
    %scan3A = arith.constant 0 : i32
    %scan3A_7 = arith.constant 0 : i32
    %scan3A_8 = arith.constant 78 : i32
    %scan3A_9 = arith.addi %scan3A_7, %scan3A_8 : i32
    %scan3A_10 = arith.constant 1 : i32
    scf.for %scan3A_32 = %scan3A_7 to %scan3A_9 step %scan3A_10  : i32 {
      %mul3A_33 = arith.constant 128 : i32
      %mul3A_34 = arith.muli %scan3A_32, %mul3A_33 : i32
      %add3A_35 = arith.addi %mul3A_6, %mul3A_34 : i32
      "tpu.region"() ({
        %run_scoped3A = tpu.sem_alloc : memref<!tpu.dma_semaphore, #tpu.memory_space<semaphore_mem>>
        %dma_start3A_114 = tpu.memref_slice %arg3[%add3A_35] : memref<160000xi32, #tpu.memory_space<hbm>> -> memref<128xi32, #tpu.memory_space<hbm>>
        %dma_start3A_115 = tpu.memref_slice %arg3[%add3A_35] : memref<160000xi32, #tpu.memory_space<hbm>> -> memref<128xi32, #tpu.memory_space<hbm>>
        tpu.enqueue_dma source(%dma_start3A_115 : memref<128xi32, #tpu.memory_space<hbm>>) target(%arg6 : memref<128xi32, #tpu.memory_space<vmem>>) target_semaphore(%run_scoped3A : memref<!tpu.dma_semaphore, #tpu.memory_space<semaphore_mem>>)
        %dma_wait3A_116 = tpu.memref_slice %arg3[%add3A_35] : memref<160000xi32, #tpu.memory_space<hbm>> -> memref<128xi32, #tpu.memory_space<hbm>>
        %dma_wait3A_117 = tpu.memref_slice %arg3[%add3A_35] : memref<160000xi32, #tpu.memory_space<hbm>> -> memref<128xi32, #tpu.memory_space<hbm>>
        tpu.wait_dma2 semaphore(%run_scoped3A : memref<!tpu.dma_semaphore, #tpu.memory_space<semaphore_mem>>) src(%dma_wait3A_117 : memref<128xi32, #tpu.memory_space<hbm>>) dst(%arg6 : memref<128xi32, #tpu.memory_space<vmem>>)
        tpu.yield
      }) : () -> ()
      "tpu.region"() ({
        %run_scoped3A = tpu.sem_alloc : memref<!tpu.dma_semaphore, #tpu.memory_space<semaphore_mem>>
        %dma_start3A_114 = tpu.memref_slice %arg4[%add3A_35] : memref<160000xi32, #tpu.memory_space<hbm>> -> memref<128xi32, #tpu.memory_space<hbm>>
        %dma_start3A_115 = tpu.memref_slice %arg4[%add3A_35] : memref<160000xi32, #tpu.memory_space<hbm>> -> memref<128xi32, #tpu.memory_space<hbm>>
        tpu.enqueue_dma source(%dma_start3A_115 : memref<128xi32, #tpu.memory_space<hbm>>) target(%arg7 : memref<128xi32, #tpu.memory_space<vmem>>) target_semaphore(%run_scoped3A : memref<!tpu.dma_semaphore, #tpu.memory_space<semaphore_mem>>)
        %dma_wait3A_116 = tpu.memref_slice %arg4[%add3A_35] : memref<160000xi32, #tpu.memory_space<hbm>> -> memref<128xi32, #tpu.memory_space<hbm>>
        %dma_wait3A_117 = tpu.memref_slice %arg4[%add3A_35] : memref<160000xi32, #tpu.memory_space<hbm>> -> memref<128xi32, #tpu.memory_space<hbm>>
        tpu.wait_dma2 semaphore(%run_scoped3A : memref<!tpu.dma_semaphore, #tpu.memory_space<semaphore_mem>>) src(%dma_wait3A_117 : memref<128xi32, #tpu.memory_space<hbm>>) dst(%arg7 : memref<128xi32, #tpu.memory_space<vmem>>)
        tpu.yield
      }) : () -> ()
      %get3A_36 = arith.constant 0 : index
      %get3A_37 = tpu.vector_load %arg6[%get3A_36] {strides = array<i32>} : memref<128xi32, #tpu.memory_space<vmem>>, vector<16xi32>,
      %get3A_38 = vector.shape_cast %get3A_37 : vector<16xi32> to vector<16xi32>
      %add3A_39 = vector.broadcast %mul3A_0 : i32 to vector<16xi32>
      %add3A_40 = arith.addi %get3A_38, %add3A_39 : vector<16xi32>
      %swap3A_41 = arith.constant 0 : index
      %swap3A_42 = tpu.vector_load %arg6[%swap3A_41] {strides = array<i32>} : memref<128xi32, #tpu.memory_space<vmem>>, vector<16xi32>,
      %swap3A_43 = vector.shape_cast %swap3A_42 : vector<16xi32> to vector<16xi32>
      %swap3A_44 = vector.shape_cast %add3A_40 : vector<16xi32> to vector<16xi32>
      tpu.vector_store %arg6[%swap3A_41], %swap3A_44 {strides = array<i32>} : memref<128xi32, #tpu.memory_space<vmem>>, vector<16xi32>,
      %get3A_45 = arith.constant 16 : index
      %get3A_46 = tpu.vector_load %arg6[%get3A_45] {strides = array<i32>} : memref<128xi32, #tpu.memory_space<vmem>>, vector<16xi32>,
      %get3A_47 = vector.shape_cast %get3A_46 : vector<16xi32> to vector<16xi32>
      %add3A_48 = vector.broadcast %mul3A_0 : i32 to vector<16xi32>
      %add3A_49 = arith.addi %get3A_47, %add3A_48 : vector<16xi32>
      %swap3A_50 = arith.constant 16 : index
      %swap3A_51 = tpu.vector_load %arg6[%swap3A_50] {strides = array<i32>} : memref<128xi32, #tpu.memory_space<vmem>>, vector<16xi32>,
      %swap3A_52 = vector.shape_cast %swap3A_51 : vector<16xi32> to vector<16xi32>
      %swap3A_53 = vector.shape_cast %add3A_49 : vector<16xi32> to vector<16xi32>
      tpu.vector_store %arg6[%swap3A_50], %swap3A_53 {strides = array<i32>} : memref<128xi32, #tpu.memory_space<vmem>>, vector<16xi32>,
      %get3A_54 = arith.constant 32 : index
      %get3A_55 = tpu.vector_load %arg6[%get3A_54] {strides = array<i32>} : memref<128xi32, #tpu.memory_space<vmem>>, vector<16xi32>,
      %get3A_56 = vector.shape_cast %get3A_55 : vector<16xi32> to vector<16xi32>
      %add3A_57 = vector.broadcast %mul3A_0 : i32 to vector<16xi32>
      %add3A_58 = arith.addi %get3A_56, %add3A_57 : vector<16xi32>
      %swap3A_59 = arith.constant 32 : index
      %swap3A_60 = tpu.vector_load %arg6[%swap3A_59] {strides = array<i32>} : memref<128xi32, #tpu.memory_space<vmem>>, vector<16xi32>,
      %swap3A_61 = vector.shape_cast %swap3A_60 : vector<16xi32> to vector<16xi32>
      %swap3A_62 = vector.shape_cast %add3A_58 : vector<16xi32> to vector<16xi32>
      tpu.vector_store %arg6[%swap3A_59], %swap3A_62 {strides = array<i32>} : memref<128xi32, #tpu.memory_space<vmem>>, vector<16xi32>,
      %get3A_63 = arith.constant 48 : index
      %get3A_64 = tpu.vector_load %arg6[%get3A_63] {strides = array<i32>} : memref<128xi32, #tpu.memory_space<vmem>>, vector<16xi32>,
      %get3A_65 = vector.shape_cast %get3A_64 : vector<16xi32> to vector<16xi32>
      %add3A_66 = vector.broadcast %mul3A_0 : i32 to vector<16xi32>
      %add3A_67 = arith.addi %get3A_65, %add3A_66 : vector<16xi32>
      %swap3A_68 = arith.constant 48 : index
      %swap3A_69 = tpu.vector_load %arg6[%swap3A_68] {strides = array<i32>} : memref<128xi32, #tpu.memory_space<vmem>>, vector<16xi32>,
      %swap3A_70 = vector.shape_cast %swap3A_69 : vector<16xi32> to vector<16xi32>
      %swap3A_71 = vector.shape_cast %add3A_67 : vector<16xi32> to vector<16xi32>
      tpu.vector_store %arg6[%swap3A_68], %swap3A_71 {strides = array<i32>} : memref<128xi32, #tpu.memory_space<vmem>>, vector<16xi32>,
      %get3A_72 = arith.constant 64 : index
      %get3A_73 = tpu.vector_load %arg6[%get3A_72] {strides = array<i32>} : memref<128xi32, #tpu.memory_space<vmem>>, vector<16xi32>,
      %get3A_74 = vector.shape_cast %get3A_73 : vector<16xi32> to vector<16xi32>
      %add3A_75 = vector.broadcast %mul3A_0 : i32 to vector<16xi32>
      %add3A_76 = arith.addi %get3A_74, %add3A_75 : vector<16xi32>
      %swap3A_77 = arith.constant 64 : index
      %swap3A_78 = tpu.vector_load %arg6[%swap3A_77] {strides = array<i32>} : memref<128xi32, #tpu.memory_space<vmem>>, vector<16xi32>,
      %swap3A_79 = vector.shape_cast %swap3A_78 : vector<16xi32> to vector<16xi32>
      %swap3A_80 = vector.shape_cast %add3A_76 : vector<16xi32> to vector<16xi32>
      tpu.vector_store %arg6[%swap3A_77], %swap3A_80 {strides = array<i32>} : memref<128xi32, #tpu.memory_space<vmem>>, vector<16xi32>,
      %get3A_81 = arith.constant 80 : index
      %get3A_82 = tpu.vector_load %arg6[%get3A_81] {strides = array<i32>} : memref<128xi32, #tpu.memory_space<vmem>>, vector<16xi32>,
      %get3A_83 = vector.shape_cast %get3A_82 : vector<16xi32> to vector<16xi32>
      %add3A_84 = vector.broadcast %mul3A_0 : i32 to vector<16xi32>
      %add3A_85 = arith.addi %get3A_83, %add3A_84 : vector<16xi32>
      %swap3A_86 = arith.constant 80 : index
      %swap3A_87 = tpu.vector_load %arg6[%swap3A_86] {strides = array<i32>} : memref<128xi32, #tpu.memory_space<vmem>>, vector<16xi32>,
      %swap3A_88 = vector.shape_cast %swap3A_87 : vector<16xi32> to vector<16xi32>
      %swap3A_89 = vector.shape_cast %add3A_85 : vector<16xi32> to vector<16xi32>
      tpu.vector_store %arg6[%swap3A_86], %swap3A_89 {strides = array<i32>} : memref<128xi32, #tpu.memory_space<vmem>>, vector<16xi32>,
      %get3A_90 = arith.constant 96 : index
      %get3A_91 = tpu.vector_load %arg6[%get3A_90] {strides = array<i32>} : memref<128xi32, #tpu.memory_space<vmem>>, vector<16xi32>,
      %get3A_92 = vector.shape_cast %get3A_91 : vector<16xi32> to vector<16xi32>
      %add3A_93 = vector.broadcast %mul3A_0 : i32 to vector<16xi32>
      %add3A_94 = arith.addi %get3A_92, %add3A_93 : vector<16xi32>
      %swap3A_95 = arith.constant 96 : index
      %swap3A_96 = tpu.vector_load %arg6[%swap3A_95] {strides = array<i32>} : memref<128xi32, #tpu.memory_space<vmem>>, vector<16xi32>,
      %swap3A_97 = vector.shape_cast %swap3A_96 : vector<16xi32> to vector<16xi32>
      %swap3A_98 = vector.shape_cast %add3A_94 : vector<16xi32> to vector<16xi32>
      tpu.vector_store %arg6[%swap3A_95], %swap3A_98 {strides = array<i32>} : memref<128xi32, #tpu.memory_space<vmem>>, vector<16xi32>,
      %get3A_99 = arith.constant 112 : index
      %get3A_100 = tpu.vector_load %arg6[%get3A_99] {strides = array<i32>} : memref<128xi32, #tpu.memory_space<vmem>>, vector<16xi32>,
      %get3A_101 = vector.shape_cast %get3A_100 : vector<16xi32> to vector<16xi32>
      %add3A_102 = vector.broadcast %mul3A_0 : i32 to vector<16xi32>
      %add3A_103 = arith.addi %get3A_101, %add3A_102 : vector<16xi32>
      %swap3A_104 = arith.constant 112 : index
      %swap3A_105 = tpu.vector_load %arg6[%swap3A_104] {strides = array<i32>} : memref<128xi32, #tpu.memory_space<vmem>>, vector<16xi32>,
      %swap3A_106 = vector.shape_cast %swap3A_105 : vector<16xi32> to vector<16xi32>
      %swap3A_107 = vector.shape_cast %add3A_103 : vector<16xi32> to vector<16xi32>
      tpu.vector_store %arg6[%swap3A_104], %swap3A_107 {strides = array<i32>} : memref<128xi32, #tpu.memory_space<vmem>>, vector<16xi32>,
      %dma_start3A_108 = arith.constant 0 : i32
      %dma_start3A_109 = arith.constant 0 : i32
      %dma_start3A_110 = tpu.memref_slice %arg2[%dma_start3A_108, %dma_start3A_109] : memref<20000x128xf32, #tpu.memory_space<hbm>> -> memref<20000x128xf32, #tpu.memory_space<hbm>>
      tpu.enqueue_indirect_dma source(%dma_start3A_110 : memref<20000x128xf32, #tpu.memory_space<hbm>>) target(%arg8 : memref<128x128xf32, #tpu.memory_space<vmem>>) offsets(%arg6 : memref<128xi32, #tpu.memory_space<vmem>>) semaphore(%arg13 : memref<!tpu.dma_semaphore, #tpu.memory_space<semaphore_mem>>)
      %dma_wait3A_111 = arith.constant 0 : i32
      %dma_wait3A_112 = arith.constant 0 : i32
      %dma_wait3A_113 = tpu.memref_slice %arg2[%dma_wait3A_111, %dma_wait3A_112] : memref<20000x128xf32, #tpu.memory_space<hbm>> -> memref<20000x128xf32, #tpu.memory_space<hbm>>
      tpu.wait_indirect_dma semaphore(%arg13 : memref<!tpu.dma_semaphore, #tpu.memory_space<semaphore_mem>>) src(%dma_wait3A_113 : memref<20000x128xf32, #tpu.memory_space<hbm>>) dst(%arg8 : memref<128x128xf32, #tpu.memory_space<vmem>>)
      "tpu.region"() ({
        %run_scoped3A = tpu.sem_alloc : memref<!tpu.dma_semaphore, #tpu.memory_space<semaphore_mem>>
        %dma_start3A_114 = arith.constant 0 : i32
        %dma_start3A_115 = arith.constant 0 : i32
        %dma_start3A_116 = tpu.memref_slice %arg12[%dma_start3A_114, %dma_start3A_115] : memref<10000x128xf32, #tpu.memory_space<vmem_shared>> -> memref<10000x128xf32, #tpu.memory_space<vmem_shared>>
        tpu.enqueue_indirect_dma source(%arg8 : memref<128x128xf32, #tpu.memory_space<vmem>>) target(%dma_start3A_116 : memref<10000x128xf32, #tpu.memory_space<vmem_shared>>) offsets(%arg7 : memref<128xi32, #tpu.memory_space<vmem>>) semaphore(%run_scoped3A : memref<!tpu.dma_semaphore, #tpu.memory_space<semaphore_mem>>) {add = true}
        %dma_wait3A_117 = arith.constant 0 : i32
        %dma_wait3A_118 = arith.constant 0 : i32
        %dma_wait3A_119 = tpu.memref_slice %arg12[%dma_wait3A_117, %dma_wait3A_118] : memref<10000x128xf32, #tpu.memory_space<vmem_shared>> -> memref<10000x128xf32, #tpu.memory_space<vmem_shared>>
        tpu.wait_indirect_dma semaphore(%run_scoped3A : memref<!tpu.dma_semaphore, #tpu.memory_space<semaphore_mem>>) src(%arg8 : memref<128x128xf32, #tpu.memory_space<vmem>>) dst(%dma_wait3A_119 : memref<10000x128xf32, #tpu.memory_space<vmem_shared>>)
        tpu.yield
      }) : () -> ()
    }
    %scan3A_11 = arith.constant 78 : i32
    %add3A_12 = arith.constant 9984 : i32
    %add3A_13 = arith.addi %mul3A_6, %add3A_12 : i32
    "tpu.region"() ({
      %run_scoped3A = tpu.sem_alloc : memref<!tpu.dma_semaphore, #tpu.memory_space<semaphore_mem>>
      %dma_start3A_32 = tpu.memref_slice %arg3[%add3A_13] : memref<160000xi32, #tpu.memory_space<hbm>> -> memref<16xi32, #tpu.memory_space<hbm>>
      %dma_start3A_33 = tpu.memref_slice %arg3[%add3A_13] : memref<160000xi32, #tpu.memory_space<hbm>> -> memref<16xi32, #tpu.memory_space<hbm>>
      tpu.enqueue_dma source(%dma_start3A_33 : memref<16xi32, #tpu.memory_space<hbm>>) target(%arg9 : memref<16xi32, #tpu.memory_space<vmem>>) target_semaphore(%run_scoped3A : memref<!tpu.dma_semaphore, #tpu.memory_space<semaphore_mem>>)
      %dma_wait3A_34 = tpu.memref_slice %arg3[%add3A_13] : memref<160000xi32, #tpu.memory_space<hbm>> -> memref<16xi32, #tpu.memory_space<hbm>>
      %dma_wait3A_35 = tpu.memref_slice %arg3[%add3A_13] : memref<160000xi32, #tpu.memory_space<hbm>> -> memref<16xi32, #tpu.memory_space<hbm>>
      tpu.wait_dma2 semaphore(%run_scoped3A : memref<!tpu.dma_semaphore, #tpu.memory_space<semaphore_mem>>) src(%dma_wait3A_35 : memref<16xi32, #tpu.memory_space<hbm>>) dst(%arg9 : memref<16xi32, #tpu.memory_space<vmem>>)
      tpu.yield
    }) : () -> ()
    "tpu.region"() ({
      %run_scoped3A = tpu.sem_alloc : memref<!tpu.dma_semaphore, #tpu.memory_space<semaphore_mem>>
      %dma_start3A_32 = tpu.memref_slice %arg4[%add3A_13] : memref<160000xi32, #tpu.memory_space<hbm>> -> memref<16xi32, #tpu.memory_space<hbm>>
      %dma_start3A_33 = tpu.memref_slice %arg4[%add3A_13] : memref<160000xi32, #tpu.memory_space<hbm>> -> memref<16xi32, #tpu.memory_space<hbm>>
      tpu.enqueue_dma source(%dma_start3A_33 : memref<16xi32, #tpu.memory_space<hbm>>) target(%arg10 : memref<16xi32, #tpu.memory_space<vmem>>) target_semaphore(%run_scoped3A : memref<!tpu.dma_semaphore, #tpu.memory_space<semaphore_mem>>)
      %dma_wait3A_34 = tpu.memref_slice %arg4[%add3A_13] : memref<160000xi32, #tpu.memory_space<hbm>> -> memref<16xi32, #tpu.memory_space<hbm>>
      %dma_wait3A_35 = tpu.memref_slice %arg4[%add3A_13] : memref<160000xi32, #tpu.memory_space<hbm>> -> memref<16xi32, #tpu.memory_space<hbm>>
      tpu.wait_dma2 semaphore(%run_scoped3A : memref<!tpu.dma_semaphore, #tpu.memory_space<semaphore_mem>>) src(%dma_wait3A_35 : memref<16xi32, #tpu.memory_space<hbm>>) dst(%arg10 : memref<16xi32, #tpu.memory_space<vmem>>)
      tpu.yield
    }) : () -> ()
    %get3A = arith.constant 0 : index
    %get3A_14 = tpu.vector_load %arg9[%get3A] {strides = array<i32>} : memref<16xi32, #tpu.memory_space<vmem>>, vector<16xi32>,
    %get3A_15 = vector.shape_cast %get3A_14 : vector<16xi32> to vector<16xi32>
    %add3A_16 = vector.broadcast %mul3A_0 : i32 to vector<16xi32>
    %add3A_17 = arith.addi %get3A_15, %add3A_16 : vector<16xi32>
    %swap3A = arith.constant 0 : index
    %swap3A_18 = tpu.vector_load %arg9[%swap3A] {strides = array<i32>} : memref<16xi32, #tpu.memory_space<vmem>>, vector<16xi32>,
    %swap3A_19 = vector.shape_cast %swap3A_18 : vector<16xi32> to vector<16xi32>
    %swap3A_20 = vector.shape_cast %add3A_17 : vector<16xi32> to vector<16xi32>
    tpu.vector_store %arg9[%swap3A], %swap3A_20 {strides = array<i32>} : memref<16xi32, #tpu.memory_space<vmem>>, vector<16xi32>,
    %dma_start3A = arith.constant 0 : i32
    %dma_start3A_21 = arith.constant 0 : i32
    %dma_start3A_22 = tpu.memref_slice %arg2[%dma_start3A, %dma_start3A_21] : memref<20000x128xf32, #tpu.memory_space<hbm>> -> memref<20000x128xf32, #tpu.memory_space<hbm>>
    tpu.enqueue_indirect_dma source(%dma_start3A_22 : memref<20000x128xf32, #tpu.memory_space<hbm>>) target(%arg11 : memref<16x128xf32, #tpu.memory_space<vmem>>) offsets(%arg9 : memref<16xi32, #tpu.memory_space<vmem>>) semaphore(%arg13 : memref<!tpu.dma_semaphore, #tpu.memory_space<semaphore_mem>>)
    %dma_wait3A = arith.constant 0 : i32
    %dma_wait3A_23 = arith.constant 0 : i32
    %dma_wait3A_24 = tpu.memref_slice %arg2[%dma_wait3A, %dma_wait3A_23] : memref<20000x128xf32, #tpu.memory_space<hbm>> -> memref<20000x128xf32, #tpu.memory_space<hbm>>
    tpu.wait_indirect_dma semaphore(%arg13 : memref<!tpu.dma_semaphore, #tpu.memory_space<semaphore_mem>>) src(%dma_wait3A_24 : memref<20000x128xf32, #tpu.memory_space<hbm>>) dst(%arg11 : memref<16x128xf32, #tpu.memory_space<vmem>>)
    "tpu.region"() ({
      %run_scoped3A = tpu.sem_alloc : memref<!tpu.dma_semaphore, #tpu.memory_space<semaphore_mem>>
      %dma_start3A_32 = arith.constant 0 : i32
      %dma_start3A_33 = arith.constant 0 : i32
      %dma_start3A_34 = tpu.memref_slice %arg12[%dma_start3A_32, %dma_start3A_33] : memref<10000x128xf32, #tpu.memory_space<vmem_shared>> -> memref<10000x128xf32, #tpu.memory_space<vmem_shared>>
      tpu.enqueue_indirect_dma source(%arg11 : memref<16x128xf32, #tpu.memory_space<vmem>>) target(%dma_start3A_34 : memref<10000x128xf32, #tpu.memory_space<vmem_shared>>) offsets(%arg10 : memref<16xi32, #tpu.memory_space<vmem>>) semaphore(%run_scoped3A : memref<!tpu.dma_semaphore, #tpu.memory_space<semaphore_mem>>) {add = true}
      %dma_wait3A_35 = arith.constant 0 : i32
      %dma_wait3A_36 = arith.constant 0 : i32
      %dma_wait3A_37 = tpu.memref_slice %arg12[%dma_wait3A_35, %dma_wait3A_36] : memref<10000x128xf32, #tpu.memory_space<vmem_shared>> -> memref<10000x128xf32, #tpu.memory_space<vmem_shared>>
      tpu.wait_indirect_dma semaphore(%run_scoped3A : memref<!tpu.dma_semaphore, #tpu.memory_space<semaphore_mem>>) src(%arg11 : memref<16x128xf32, #tpu.memory_space<vmem>>) dst(%dma_wait3A_37 : memref<10000x128xf32, #tpu.memory_space<vmem_shared>>)
      tpu.yield
    }) : () -> ()
    %barrier3A_25 = arith.constant 0 : index
    tpu.barrier barrier_id(%barrier3A_25)
    %add3A_26 = arith.addi %mul3A_0, %mul3A_2 : i32
    "tpu.region"() ({
      %run_scoped3A = tpu.sem_alloc : memref<!tpu.dma_semaphore, #tpu.memory_space<semaphore_mem>>
      %dma_start3A_32 = arith.constant 0 : i32
      %dma_start3A_33 = tpu.memref_slice %arg5[%add3A_26, %dma_start3A_32] : memref<20000x128xf32, #tpu.memory_space<hbm>> -> memref<624x128xf32, #tpu.memory_space<hbm>>
      %dma_start3A_34 = arith.constant 0 : i32
      %dma_start3A_35 = tpu.memref_slice %arg12[%mul3A_2, %dma_start3A_34] : memref<10000x128xf32, #tpu.memory_space<vmem_shared>> -> memref<624x128xf32, #tpu.memory_space<vmem_shared>>
      tpu.enqueue_dma source(%dma_start3A_35 : memref<624x128xf32, #tpu.memory_space<vmem_shared>>) target(%dma_start3A_33 : memref<624x128xf32, #tpu.memory_space<hbm>>) target_semaphore(%run_scoped3A : memref<!tpu.dma_semaphore, #tpu.memory_space<semaphore_mem>>)
      %dma_wait3A_36 = arith.constant 0 : i32
      %dma_wait3A_37 = tpu.memref_slice %arg5[%add3A_26, %dma_wait3A_36] : memref<20000x128xf32, #tpu.memory_space<hbm>> -> memref<624x128xf32, #tpu.memory_space<hbm>>
      %dma_wait3A_38 = arith.constant 0 : i32
      %dma_wait3A_39 = tpu.memref_slice %arg12[%mul3A_2, %dma_wait3A_38] : memref<10000x128xf32, #tpu.memory_space<vmem_shared>> -> memref<624x128xf32, #tpu.memory_space<vmem_shared>>
      tpu.wait_dma2 semaphore(%run_scoped3A : memref<!tpu.dma_semaphore, #tpu.memory_space<semaphore_mem>>) src(%dma_wait3A_39 : memref<624x128xf32, #tpu.memory_space<vmem_shared>>) dst(%dma_wait3A_37 : memref<624x128xf32, #tpu.memory_space<hbm>>)
      tpu.yield
    }) : () -> ()
    %eq3A_27 = arith.constant 0 : i32
    %eq3A_28 = arith.cmpi eq, %arg1, %eq3A_27 : i32
    %convert_element_type3A_29 = arith.extui %eq3A_28 : i1 to i32
    %cond3A_30 = arith.constant 0 : i32
    %cond3A_31 = arith.cmpi ne, %convert_element_type3A_29, %cond3A_30 : i32
    scf.if %cond3A_31 {
      %add3A_32 = arith.constant 9984 : i32
      %add3A_33 = arith.addi %mul3A_0, %add3A_32 : i32
      "tpu.region"() ({
        %run_scoped3A = tpu.sem_alloc : memref<!tpu.dma_semaphore, #tpu.memory_space<semaphore_mem>>
        %dma_start3A_34 = arith.constant 0 : i32
        %dma_start3A_35 = tpu.memref_slice %arg5[%add3A_33, %dma_start3A_34] : memref<20000x128xf32, #tpu.memory_space<hbm>> -> memref<16x128xf32, #tpu.memory_space<hbm>>
        %dma_start3A_36 = arith.constant 9984 : i32
        %dma_start3A_37 = arith.constant 0 : i32
        %dma_start3A_38 = tpu.memref_slice %arg12[%dma_start3A_36, %dma_start3A_37] : memref<10000x128xf32, #tpu.memory_space<vmem_shared>> -> memref<16x128xf32, #tpu.memory_space<vmem_shared>>
        tpu.enqueue_dma source(%dma_start3A_38 : memref<16x128xf32, #tpu.memory_space<vmem_shared>>) target(%dma_start3A_35 : memref<16x128xf32, #tpu.memory_space<hbm>>) target_semaphore(%run_scoped3A : memref<!tpu.dma_semaphore, #tpu.memory_space<semaphore_mem>>)
        %dma_wait3A_39 = arith.constant 0 : i32
        %dma_wait3A_40 = tpu.memref_slice %arg5[%add3A_33, %dma_wait3A_39] : memref<20000x128xf32, #tpu.memory_space<hbm>> -> memref<16x128xf32, #tpu.memory_space<hbm>>
        %dma_wait3A_41 = arith.constant 9984 : i32
        %dma_wait3A_42 = arith.constant 0 : i32
        %dma_wait3A_43 = tpu.memref_slice %arg12[%dma_wait3A_41, %dma_wait3A_42] : memref<10000x128xf32, #tpu.memory_space<vmem_shared>> -> memref<16x128xf32, #tpu.memory_space<vmem_shared>>
        tpu.wait_dma2 semaphore(%run_scoped3A : memref<!tpu.dma_semaphore, #tpu.memory_space<semaphore_mem>>) src(%dma_wait3A_43 : memref<16x128xf32, #tpu.memory_space<vmem_shared>>) dst(%dma_wait3A_40 : memref<16x128xf32, #tpu.memory_space<hbm>>)
        tpu.yield
      }) : () -> ()
    } else {
    }
    return
  }
}

module attributes {stable_mosaic.version = 14 : i64} {
  func.func @_matmul_body(%arg0: i32, %arg1: i32, %arg2: memref<1000x256xf32, #tpu.memory_space<vmem>>, %arg3: memref<256x128xf32, #tpu.memory_space<vmem>>, %arg4: memref<1x128xf32, #tpu.memory_space<vmem>>, %arg5: memref<1000x128xf32, #tpu.memory_space<vmem>>) attributes {dimension_semantics = [#tpu.dimension_semantics<arbitrary>, #tpu.dimension_semantics<arbitrary>], iteration_bounds = array<i64: 10, 2>, scalar_prefetch = 0 : i64, scratch_operands = 0 : i64, tpu.core_type = #tpu.core_type<tc>, window_params = [{transform_indices = @transform_0, window_bounds = array<i64: 1000, 256>}, {transform_indices = @transform_1, window_bounds = array<i64: 256, 128>}, {transform_indices = @transform_2, window_bounds = array<i64: 1, 128>}, {transform_indices = @transform_3, window_bounds = array<i64: 1000, 128>}]} {
    %get3A = arith.constant 0 : index
    %get3A_0 = arith.constant 0 : index
    %get3A_1 = vector.load %arg2[%get3A, %get3A_0] : memref<1000x256xf32, #tpu.memory_space<vmem>>, vector<1000x256xf32>
    %get3A_2 = arith.constant 0 : index
    %get3A_3 = arith.constant 0 : index
    %get3A_4 = vector.load %arg3[%get3A_2, %get3A_3] : memref<256x128xf32, #tpu.memory_space<vmem>>, vector<256x128xf32>
    %dot_general3A = arith.constant dense<0.000000e+00> : vector<1000x128xf32>
    %dot_general3A_5 = tpu.matmul %get3A_1, %get3A_4, %dot_general3A {dimension_numbers = #tpu.dot_dimension_numbers<[1], [0], [0], [1], [0, 0, 1, 1], [], []>, transpose_lhs_hint = false} : vector<1000x256xf32>, vector<256x128xf32>, vector<1000x128xf32> -> vector<1000x128xf32>
    %get3A_6 = arith.constant 0 : index
    %get3A_7 = arith.constant 0 : index
    %get3A_8 = vector.load %arg4[%get3A_6, %get3A_7] : memref<1x128xf32, #tpu.memory_space<vmem>>, vector<1x128xf32>
    %add3A = vector.broadcast %get3A_8 : vector<1x128xf32> to vector<1000x128xf32>
    %add3A_9 = arith.addf %dot_general3A_5, %add3A : vector<1000x128xf32>
    %swap3A = arith.constant 0 : index
    %swap3A_10 = arith.constant 0 : index
    %swap3A_11 = vector.load %arg5[%swap3A, %swap3A_10] : memref<1000x128xf32, #tpu.memory_space<vmem>>, vector<1000x128xf32>
    tpu.vector_store %arg5[%swap3A, %swap3A_10], %add3A_9 {strides = array<i32>} : memref<1000x128xf32, #tpu.memory_space<vmem>>, vector<1000x128xf32>,
    return
  }
  func.func @transform_0(%arg0: i32, %arg1: i32) -> (i32, i32) {
    %c0_i32 = arith.constant 0 : i32
    %c0_i32_0 = arith.constant 0 : i32
    return %arg0, %c0_i32 : i32, i32
  }
  func.func @transform_1(%arg0: i32, %arg1: i32) -> (i32, i32) {
    %c0_i32 = arith.constant 0 : i32
    %c0_i32_0 = arith.constant 0 : i32
    return %c0_i32, %arg1 : i32, i32
  }
  func.func @transform_2(%arg0: i32, %arg1: i32) -> (i32, i32) {
    %c0_i32 = arith.constant 0 : i32
    %c0_i32_0 = arith.constant 0 : i32
    return %c0_i32, %arg1 : i32, i32
  }
  func.func @transform_3(%arg0: i32, %arg1: i32) -> (i32, i32) {
    %mul3A = arith.constant 10 : i32
    %mul3A_0 = arith.muli %arg1, %mul3A : i32
    %add3A = arith.addi %mul3A_0, %arg0 : i32
    %c0_i32 = arith.constant 0 : i32
    %c0_i32_1 = arith.constant 0 : i32
    return %add3A, %c0_i32 : i32, i32
  }
}

</mosaic_0001>

<sc_bundles>
// kernel: kernel.4.cloned.1.call-start
scs
__scs_entry_jumppad:
0x0: {  	(pc) =	sbr.rel $0x88, $3  }
0x1: {  	(tag) =	ssettag $0x0;
	lr =	simm.s32 $0x1  }
0x2: {  	[smem:$0x3F9D] =	sst lr;
	_ =	strace $0xD0000000  }
0x3: {  	_ = 	snop  }
0x4: {  	_ = 	snop  }
0x5: {  	_ = 	snop  }
0x6: {  	_ = 	snop  }
0x7: {  	_ = 	snop  }
__scs_overlays_trampoline_lowered:
0x8: {  	[smem:$0x3FAC] =	sst s0  }
0x9: {  	[smem:$0x3FAD] =	sst s1  }
0xa: {  	[smem:$0x3FAE] =	sst s2  }
0xb: {  	[smem:$0x3FAF] =	sst s3  }
0xc: {  	[smem:$0x3FB0] =	sst s4  }
0xd: {  	[smem:$0x3FB1] =	sst s5  }
0xe: {  	[smem:$0x3FB2] =	sst s6  }
0xf: {  	[smem:$0x3FB3] =	sst s7  }
0x10: {  	[smem:$0x3FB4] =	sst s8  }
0x11: {  	[smem:$0x3FB5] =	sst s9;
	s0 =	simm.s32 @!p0 $0x0  }
0x12: {  	s1 =	sld [smem:$0x3F9B];
	s0 =	simm.s32 @p0 $0x1  }
0x13: {  	[smem:$0x3FB6] =	sst s0;
	s0 =	simm.s32 @!p1 $0x0  }
0x14: {  	s2 =	sld [smem:$0x3F9A];
	s0 =	simm.s32 @p1 $0x1  }
0x15: {  	[smem:$0x3FB7] =	sst s0;
	s0 =	simm.s32 @!p2 $0x0  }
0x16: {  	s3 =	sld [smem:$0x3FDB];
	s0 =	simm.s32 @p2 $0x1  }
0x17: {  	s4 =	simm.s32 $0x1BF5;
	[smem:$0x3FB9] =	sst s0  }
0x18: {  	s0 =	sld [smem:$0x3F9C];
	_ =	swait.ge [sflag:s4], $0x0  }
0x19: {  	s7 =	sld [smem:$0x3F9D]  }
0x1a: {  	s8 =	sadd.s32 $0xFFFFE003, lr  }
0x1b: {  	s9 =	sadd.s32 $0xFFFFFEF7, lr;
	s5 =	simm.s32 $0xFFFFFFFF;
	p2 =	slt.u32 s8, $0xFFFFF086  }
0x1c: {  	p1 =	slt.u32 s9, $0xF7A;
	s5 =	simm.s32 @!p2 $0x0  }
0x1d: {  	s5 =	simm.s32 @p1 $0x1;
	p0 =	seq.s32 s7, s2  }
0x1e: {  	s7 =	smul.u32 @!p0 $0xF7A, s2;
	p2 =	seq.s32 @!p0 s5, $0x0  }
0x1f: {  	s9 =	smul.u32 $0xF7A, s1;
	s8 =	simm.s32 @!p0 $0x1BF5;
	p2 =	por !p2, p0  }
0x20: {  	[sflag:s8] =	ssyncset.s32 @!p0 $0xFFFFF086;
	s6 =	sadd.s32 @!p0 s3, s7;
	s7 =	simm.s32 @!p0 $0x108  }
0x21: {  	s3 =	sadd.s32 s3, s9;
	s6 =	sadd.s32 @!p0 $0x88, s6;
	s7 =	simm.s32 @p2 $0x1082  }
0x22: {  	[simem:s7], [sflag:s8] =	dma.local @!p0 [hbm:s6], $0xF7A  }
0x23: {  	s9 =	sor.u32 $0xD0000000, s2;
	s6 =	simm.s32 $0x108;
	_ =	swait.ge @!p0 [sflag:s8], $0x0  }
0x24: {  	s3 =	sadd.s32 $0x88, s3;
	s6 =	simm.s32 @!p1 $0x1082;
	[sflag:s4] =	ssyncset.s32 $0xFFFFF086  }
0x25: {  	[simem:s6], [sflag:s4] =	dma.local [hbm:s3], $0xF7A  }
0x26: {  	[smem:$0x3F9D] =	sst s1;
	(tag) =	ssettag s2;
	_ =	strace s9  }
0x27: {  	s1 =	sld [smem:$0x3FAD]  }
0x28: {  	s2 =	sld [smem:$0x3FAE]  }
0x29: {  	s4 =	sld [smem:$0x3FB0]  }
0x2a: {  	p0 =	seq.s32 s5, $0x0;
	s5 =	sld [smem:$0x3FB1]  }
0x2b: {  	s6 =	sld [smem:$0x3FB2]  }
0x2c: {  	s7 =	sld [smem:$0x3FB3]  }
0x2d: {  	s3 =	simm.s32 $0x108;
	s8 =	sld [smem:$0x3FB4]  }
0x2e: {  	s3 =	simm.s32 @!p0 $0x1082;
	s9 =	sld [smem:$0x3FB5]  }
0x2f: {  	lr =	sadd.s32 s0, s3;
	s0 =	sld [smem:$0x3FAC]  }
0x30: {  	s3 =	sld [smem:$0x3FAF]  }
0x31: {  	[smem:$0x3FB8] =	sst s10  }
0x32: {  	s10 =	sld [smem:$0x3FB6];
	_ =	sdelay $0x3  }
0x33: {  	p0 =	seq.s32 s10, $0x1;
	s10 =	sld [smem:$0x3FB8];
	_ =	sdelay $0x3  }
0x34: {  	[smem:$0x3FB8] =	sst s10  }
0x35: {  	s10 =	sld [smem:$0x3FB7];
	_ =	sdelay $0x3  }
0x36: {  	p1 =	seq.s32 s10, $0x1;
	s10 =	sld [smem:$0x3FB8];
	_ =	sdelay $0x3  }
0x37: {  	[smem:$0x3FB8] =	sst s10  }
0x38: {  	s10 =	sld [smem:$0x3FB9]  }
0x39: {  	_ = 	snop;
	(pc) =	sbr.ind lr, $3  }
0x3a: {  	_ = 	snop  }
0x3b: {  	_ = 	snop  }
0x3c: {  	p2 =	seq.s32 s10, $0x1;
	s10 =	sld [smem:$0x3FB8]  }
0x3d: {  	_ =	shalt  }
0x3e: {  	_ =	shalt  }
0x3f: {  	_ =	shalt  }
0x40: {  	_ =	shalt  }
0x41: {  	_ =	shalt  }
0x42: {  	_ =	shalt  }
0x43: {  	_ =	shalt  }
0x44: {  	_ =	shalt  }
0x45: {  	_ =	shalt  }
0x46: {  	_ =	shalt  }
0x47: {  	_ =	shalt  }
0x48: {  	_ =	shalt  }
0x49: {  	_ =	shalt  }
0x4a: {  	_ =	shalt  }
0x4b: {  	_ =	shalt  }
0x4c: {  	_ =	shalt  }
0x4d: {  	_ =	shalt  }
0x4e: {  	_ =	shalt  }
0x4f: {  	_ =	shalt  }
0x50: {  	_ =	shalt  }
0x51: {  	_ =	shalt  }
0x52: {  	_ =	shalt  }
0x53: {  	_ =	shalt  }
0x54: {  	_ =	shalt  }
0x55: {  	_ =	shalt  }
0x56: {  	_ =	shalt  }
0x57: {  	_ =	shalt  }
0x58: {  	_ =	shalt  }
0x59: {  	_ =	shalt  }
0x5a: {  	_ =	shalt  }
0x5b: {  	_ =	shalt  }
0x5c: {  	_ =	shalt  }
0x5d: {  	_ =	shalt  }
0x5e: {  	_ =	shalt  }
0x5f: {  	_ =	shalt  }
0x60: {  	_ =	shalt  }
0x61: {  	_ =	shalt  }
0x62: {  	_ =	shalt  }
0x63: {  	_ =	shalt  }
0x64: {  	_ =	shalt  }
0x65: {  	_ =	shalt  }
0x66: {  	_ =	shalt  }
0x67: {  	_ =	shalt  }
0x68: {  	_ =	shalt  }
0x69: {  	_ =	shalt  }
0x6a: {  	_ =	shalt  }
0x6b: {  	_ =	shalt  }
0x6c: {  	_ =	shalt  }
0x6d: {  	_ =	shalt  }
0x6e: {  	_ =	shalt  }
0x6f: {  	_ =	shalt  }
0x70: {  	_ =	shalt  }
0x71: {  	_ =	shalt  }
0x72: {  	_ =	shalt  }
0x73: {  	_ =	shalt  }
0x74: {  	_ =	shalt  }
0x75: {  	_ =	shalt  }
0x76: {  	_ =	shalt  }
0x77: {  	_ =	shalt  }
0x78: {  	_ =	shalt  }
0x79: {  	_ =	shalt  }
0x7a: {  	_ =	shalt  }
0x7b: {  	_ =	shalt  }
0x7c: {  	_ =	shalt  }
0x7d: {  	_ =	shalt  }
0x7e: {  	_ =	shalt  }
0x7f: {  	_ =	shalt  }
0x80: {  	_ =	shalt  }
0x81: {  	_ =	shalt  }
0x82: {  	_ =	shalt  }
0x83: {  	_ =	shalt  }
0x84: {  	_ =	shalt  }
0x85: {  	_ =	shalt  }
0x86: {  	_ =	shalt  }
0x87: {  	_ =	shalt  }
.Lfunc_end0:
.L_simem_size_0:
called_computation_lowered:
.L_overlay_start_0:
0x88: {  	s2 =	sld [smem:$0x3FD9]  }
0x89: {  	s3 =	sld [smem:$0x3FFE];
	_ =	sdelay $0x1  }
0x8a: {  	s1 =	srdreg.scid  }
0x8b: {  	s0 =	sand.u32 $0x1, s1  }
0x8c: {  	s17 =	sshll.u32 s0, $0xA;
	s2 =	sadd.s32 s3, s2  }
0x8d: {  	s2 =	sadd.s32 s2, s17  }
0x8e: {  	[smem:$0x3FC4] =	sst s2  }
0x8f: {  	_ = 	snop  }
0x90: {  	s2 =	sld [smem:$0x3FD0];
	(tm) =	ssettm $0x1  }
0x91: {  	s18 =	sld [smem:$0x3FFB];
	_ =	sdelay $0x3  }
0x92: {  	_ =	strace s18  }
0x93: {  	s3 =	sld [smem:$0x3FFC];
	_ =	sdelay $0x3  }
0x94: {  	_ =	strace s3  }
0x95: {  	s3 =	sld [smem:$0x3FFD];
	_ =	sdelay $0x3  }
0x96: {  	_ =	strace s3  }
0x97: {  	_ =	strace $0x8FFFFFFF  }
0x98: {  	s19 =	sld [smem:$0x3FDB];
	_ =	sdelay $0x1  }
0x99: {  	s4 =	simm.s32 $_scs_section_size  }
0x9a: {  	s5 =	simm.s32 $_size__tile_overlayer_lowered;
	s6 =	simm.s32 $_tile_overlayer_lowered  }
0x9b: {  	s22 =	simm.s32 $0x1BFF;
	s21 =	sshll.u32 s6, $0x1;
	s3 =	sadd.s32 s4, s19  }
0x9c: {  	s7 =	simm.s32 $0x0;
	s20 =	sshll.u32 s5, $0x1;
	s5 =	sadd.s32 s21, s3  }
0x9d: {  	[timem:s7], [sflag:s22] =	dma.local [hbm:s5], s20  }
0x9e: {  	_ =	swait.ge [sflag:s22], s20  }
0x9f: {  	s4 =	ssub.s32 $0x0, s20;
	[sflag:s22] =	ssyncset.done $0x0  }
0xa0: {  	[sflag:s22] =	ssyncadd.s32 s4;
	_ =	sdelay $0x1  }
0xa1: {  	s23 =	simm.s32 $0x1B8B  }
0xa2: {  	_ =	swait.ge [sflag:s23], $0x1  }
0xa3: {  	[sflag:s23] =	ssyncset.done $0x0  }
0xa4: {  	s25 =	simm.s32 $0x1B8E;
	s24 =	sld [smem:$0x3FFE];
	[sflag:s23] =	ssyncadd.s32 $0xFFFFFFFF  }
0xa5: {  	s26 =	simm.s32 $execute0_lowered;
	[smem:$0x3FD2] =	sst s25  }
0xa6: {  	s5 =	sshll.u32 s26, $0x1;
	_ =	strace $0x80000046;
	[dreg:$0x1] =	wrdreg $0xFFFFFFFF  }
0xa7: {  	s28 =	simm.s32 $_size_execute0_lowered;
	s3 =	sadd.s32 s3, s5;
	[dreg:$0x0] =	wrdreg $0x0  }
0xa8: {  	s5 =	sshll.u32 s28, $0x1;
	[dreg:$0x2] =	wrdreg s3  }
0xa9: {  	[dreg:$0x3] =	wrdreg s5  }
0xaa: {  	[dreg:$0x4] =	wrdreg $0xC0  }
0xab: {  	_ =	task [dreg:s7], $0x5FFFF  }
0xac: {  	[dreg:$0x1] =	wrdreg $0xFFFFFFFF  }
0xad: {  	[dreg:$0x0] =	wrdreg $0x60  }
0xae: {  	[dreg:$0x2] =	wrdreg s2  }
0xaf: {  	[dreg:$0x3] =	wrdreg s24  }
0xb0: {  	[dreg:$0x4] =	wrdreg $0x4A000  }
0xb1: {  	[dreg:$0x5] =	wrdreg $0x9  }
0xb2: {  	_ =	task.clear_ibuf [dreg:s7], $0x6FFFF;
	_ =	strace $0x90000046  }
0xb3: {  	s29 =	simm.s32 $0x9;
	_ =	strace $0x80000048  }
0xb4: {  	_ =	swait.ge [sflag:s29], $0x1  }
0xb5: {  	[sflag:s29] =	ssyncadd.s32 $0xFFFFFFFF  }
0xb6: {  	_ =	strace $0x90000048  }
0xb7: {  	_ =	sfence  }
0xb8: {  	s30 =	sld [smem:$0x0];
	_ =	sdelay $0x2  }
0xb9: {  	s31 =	sshll.u32 s1, $0xD;
	s1 =	sshrl.u32 s1, $0x2  }
0xba: {  	s3 =	sand.u32 $0x4000, s31;
	s1 =	sadd.s32 s1, s30  }
0xbb: {  	s0 =	sor.u32 s3, s0;
	s1 =	sshll.u32 s1, $0x11  }
0xbc: {  	s0 =	sor.u32 s1, s0  }
0xbd: {  	s0 =	sadd.s32 $0x8F2B, s0  }
0xbe: {  	[sflag:s0] =	ssyncadd.remote.s32 $0x1  }
0xbf: {  	_ =	sfence.sel $0xFFFF  }
0xc0: {  	[dreg:$0x0] =	wrdreg $0xFFFFFFFF;
	(pc) =	sbr.abs _section_cstart, $3  }
0xc1: {  	[dreg:$0x1] =	wrdreg $0xFFFFFFFF  }
0xc2: {  	_ =	task.clear_ibuf [dreg:s7], $0x2FFFF;
	_ =	strace $0x9FFFFFFF  }
0xc3: {  	(tm) =	ssettm $0x7FFFFFFF  }
tec
execute0_lowered:
.L_overlay_start_1:
0x0: {  	(tag) =	ssettag $0x1  }
0x1: {  	s1 =	rddreg [dreg:$0x0]  }
0x2: {  	s4 =	rddreg [dreg:$0x1]  }
0x3: {  	s2 =	rddreg [dreg:$0x2]  }
0x4: {  	s0 =	rddreg [dreg:$0x3];
	s3 =	simm.s32 $0x0;
	s5 =	srdreg.scid  }
0x5: {  	s14 =	stileid.u32;
	s19 =	simm.s32 $0x1;
	s20 =	simm.s32 $0x4100  }
0x6: {  	s21 =	simm.s32 $0x4180;
	s23 =	simm.s32 $0x4200;
	s7 =	smul.u32 $0x270, s14  }
0x7: {  	[smem:$0x7FF] =	sst s3;
	s5 =	sand.u32 $0x1, s5;
	s8 =	smul.u32 $0x4E000, s14  }
0x8: {  	s13 =	sadd.s32 $0x5400, s4;
	s12 =	sadd.s32 $0x400, s4;
	s29 =	smul.u32 $0x2710, s14  }
0x9: {  	s10 =	sadd.s32 $0xA400, s4;
	s30 =	sshll.u32 s14, $0x6;
	s18 =	smul.u32 $0x4E2, s14  }
0xa: {  	s16 =	sadd.s32 $0x138000, s2;
	p0 =	sne.s32 s14, $0x0;
	s22 =	smul.u32 $0x2710, s5  }
0xb: {  	_ =	strace $0x80000047;
	s6 =	ssub.s32 $0x2, s5;
	s26 =	smul.u32 $0x138800, s5  }
0xc: {  	s5 =	sor.u32 $0x1C02, s30;
	s16 =	sshrl.u32 @!p0 s16, $0x3;
	s24 =	sshrl.u32 s6, $0x1  }
0xd: {  	s28 =	sshrl.u32 s8, $0x2;
	s11 =	ssub.s32 s6, s24;
	s25 =	sadd.s32 s7, s22  }
0xe: {  	s15 =	sadd.s32 s28, s2;
	s6 =	sshrl.u32 s26, $0x3;
	s7 =	sshrl.u32 s29, $0x3  }
0xf: {  	v0 =	vmov s22;
	s22 =	simm.s32 $0x10;
	s24 =	simm.s32 $0x0;
	s9 =	sshll.u32 s25, $0x4  }
0x10: {  	s17 =	sadd.s32 $0x27000, s6;
	s31 =	sadd.s32 $0x4E0, s7;
	s11 =	smax.u32 s11, $0x1  }
0x11: {  	s14 =	sshrl.u32 s15, $0x3;
	s15 =	simm.s32 $0x2;
	s4 =	sadd.s32 s1, s9  }
0x12: {  	s6 =	sadd.s32 s1, s17;
	s7 =	sadd.s32 s13, s31;
	s8 =	sadd.s32 s12, s31  }
0x13: {  	s9 =	sadd.s32 s10, s9;
	s10 =	sadd.s32 s10, s17;
	s12 =	sadd.s32 s18, s12  }
0x14: {  	s13 =	sadd.s32 s18, s13;
	s17 =	simm.s32 $0x80;
	s18 =	simm.s32 $0x100  }
.LBB2_1:
0x15: {  	[spmem:s14], [sflag:s5] =	dma.local [hbm:s4], $0x2700  }
0x16: {  	_ =	swait.ge [sflag:s15], $0x2700  }
0x17: {  	[sflag:s15] =	ssyncset.done $0x0  }
0x18: {  	s25 =	simm.s32 @!p0 $0x2;
	[sflag:s15] =	ssyncadd.s32 $0xFFFFD900  }
0x19: {  	[spmem:s16], [sflag:s5] =	dma.local @!p0 [hbm:s6], $0x100  }
0x1a: {  	_ =	swait.ge @!p0 [sflag:s25], $0x100  }
0x1b: {  	[sflag:s25] =	ssyncset.done @!p0 $0x0  }
0x1c: {  	[sflag:s25] =	ssyncadd.s32 @!p0 $0xFFFFFF00  }
0x1d: {  	s30 =	sadd.s32 $0x0, s13;
	[bflag:$0x0] =	sbarrier.arrive $0xFFFF  }
0x1e: {  	[tilespmem:s3], [sflag:$0x2] =	stream.linear.gather [hbm4b:s30+s3], $0x80, $0x38;
	[tilespmem:$0x18280] =	vst v63  }
0x1f: {  	_ =	swait.ge [sflag:s15], $0x80  }
0x20: {  	[sflag:s15] =	ssyncset.done $0x0  }
0x21: {  	s31 =	sadd.s32 $0x0, s12;
	[sflag:s15] =	ssyncadd.s32 $0xFFFFFF80  }
0x22: {  	[tilespmem:s17], [sflag:$0x2] =	stream.linear.gather [hbm4b:s31+s3], $0x80, $0x38;
	[tilespmem:$0x18280] =	vst v63  }
0x23: {  	_ =	swait.ge [sflag:s15], $0x80  }
0x24: {  	[sflag:s15] =	ssyncset.done $0x0  }
0x25: {  	[sflag:s15] =	ssyncadd.s32 $0xFFFFFF80  }
0x26: {  	v1 =	vld [tilespmem:$0x70]  }
0x27: {  	v2 =	vld [tilespmem:$0x30]  }
0x28: {  	v3 =	vld [tilespmem:$0x50]  }
0x29: {  	v5 =	vld [tilespmem:$0x20]  }
0x2a: {  	v4 =	vld [tilespmem:$0x60]  }
0x2b: {  	v6 =	vld [tilespmem:$0x10];
	v1 =	vadd.s32 v0, v1  }
0x2c: {  	v7 =	vld [tilespmem:$0x40];
	v2 =	vadd.s32 v0, v2;
	[tilespmem:$0x70] =	vst v1  }
0x2d: {  	v1 =	vld [tilespmem:$0x0];
	[tilespmem:$0x30] =	vst v2;
	v2 =	vadd.s32 v0, v3  }
0x2e: {  	v3 =	vadd.s32 v0, v5;
	[tilespmem:$0x50] =	vst v2  }
0x2f: {  	v2 =	vadd.s32 v0, v4;
	[tilespmem:$0x20] =	vst v3  }
0x30: {  	[tilespmem:$0x60] =	vst v2;
	v2 =	vadd.s32 v0, v6  }
0x31: {  	[tilespmem:$0x10] =	vst v2;
	v2 =	vadd.s32 v0, v7  }
0x32: {  	[tilespmem:$0x40] =	vst v2;
	v1 =	vadd.s32 v0, v1  }
0x33: {  	s25 =	simm.s32 $0x10;
	[tilespmem:$0x0] =	vst v1  }
.LBB2_2:
0x34: {  	[tilespmem:s18], [sflag:$0x1] =	stream.indirect.gather [hbm4b:s1+s17], $0x80, s3, s17, $0xb8;
	[tilespmem:$0x18280] =	vst v63  }
0x35: {  	s26 =	smov.u32 s25  }
0x36: {  	p1 =	sne.s32 s25, $0x4D0;
	s25 =	sadd.s32 $0x10, s25;
	_ =	swait.ge [sflag:s19], $0x4000  }
0x37: {  	[sflag:s19] =	ssyncset.done $0x0  }
0x38: {  	[sflag:s19] =	ssyncadd.s32 $0xFFFFC000  }
0x39: {  	[spmem:s2] =	stream.indirect.scatter.add.f32 [tilespmem:s18], [sflag:$0x2], $0x80, s17, s17, $0xb8;
	[tilespmem:$0x18280] =	vst v63  }
0x3a: {  	_ =	swait.ge [sflag:s15], $0x4000  }
0x3b: {  	[sflag:s15] =	ssyncset.done $0x0  }
0x3c: {  	s28 =	sadd.s32 s26, s13;
	[sflag:s15] =	ssyncadd.s32 $0xFFFFC000  }
0x3d: {  	[tilespmem:s3], [sflag:$0x2] =	stream.linear.gather [hbm4b:s28+s3], $0x80, $0x38;
	[tilespmem:$0x18280] =	vst v63  }
0x3e: {  	_ =	swait.ge [sflag:s15], $0x80  }
0x3f: {  	[sflag:s15] =	ssyncset.done $0x0  }
0x40: {  	s26 =	sadd.s32 s26, s12;
	[sflag:s15] =	ssyncadd.s32 $0xFFFFFF80  }
0x41: {  	[tilespmem:s17], [sflag:$0x2] =	stream.linear.gather [hbm4b:s26+s3], $0x80, $0x38;
	[tilespmem:$0x18280] =	vst v63  }
0x42: {  	_ =	swait.ge [sflag:s15], $0x80  }
0x43: {  	[sflag:s15] =	ssyncset.done $0x0  }
0x44: {  	[sflag:s15] =	ssyncadd.s32 $0xFFFFFF80  }
0x45: {  	v1 =	vld [tilespmem:$0x70]  }
0x46: {  	v2 =	vld [tilespmem:$0x30]  }
0x47: {  	v3 =	vld [tilespmem:$0x50]  }
0x48: {  	v4 =	vld [tilespmem:$0x60]  }
0x49: {  	v5 =	vld [tilespmem:$0x20]  }
0x4a: {  	v6 =	vld [tilespmem:$0x10];
	v1 =	vadd.s32 v0, v1  }
0x4b: {  	v2 =	vadd.s32 v0, v2;
	v7 =	vld [tilespmem:$0x40];
	[tilespmem:$0x70] =	vst v1  }
0x4c: {  	v1 =	vld [tilespmem:$0x0];
	[tilespmem:$0x30] =	vst v2;
	v2 =	vadd.s32 v0, v3  }
0x4d: {  	[tilespmem:$0x50] =	vst v2;
	v2 =	vadd.s32 v0, v4  }
.Ltmp0:
0x4e: {  	v3 =	vadd.s32 v0, v5;
	[tilespmem:$0x60] =	vst v2;
	(pc) =	sbr.rel @p1 .LBB2_2-.Ltmp0, $4  }
0x4f: {  	v2 =	vadd.s32 v0, v6;
	[tilespmem:$0x20] =	vst v3  }
0x50: {  	[tilespmem:$0x10] =	vst v2;
	v2 =	vadd.s32 v0, v7  }
0x51: {  	v1 =	vadd.s32 v0, v1;
	[tilespmem:$0x40] =	vst v2  }
0x52: {  	[tilespmem:$0x0] =	vst v1  }
0x53: {  	[tilespmem:s18], [sflag:$0x1] =	stream.indirect.gather [hbm4b:s1+s17], $0x80, s3, s17, $0xb8;
	[tilespmem:$0x18280] =	vst v63  }
0x54: {  	_ =	swait.ge [sflag:s19], $0x4000  }
0x55: {  	[sflag:s19] =	ssyncset.done $0x0  }
0x56: {  	[sflag:s19] =	ssyncadd.s32 $0xFFFFC000  }
0x57: {  	[spmem:s2] =	stream.indirect.scatter.add.f32 [tilespmem:s18], [sflag:$0x2], $0x80, s17, s17, $0xb8;
	[tilespmem:$0x18280] =	vst v63  }
0x58: {  	_ =	swait.ge [sflag:s15], $0x4000  }
0x59: {  	[sflag:s15] =	ssyncset.done $0x0  }
0x5a: {  	[sflag:s15] =	ssyncadd.s32 $0xFFFFC000  }
0x5b: {  	[tilespmem:s20], [sflag:$0x2] =	stream.linear.gather [hbm4b:s7+s3], $0x10, $0x38;
	[tilespmem:$0x18280] =	vst v63  }
0x5c: {  	_ =	swait.ge [sflag:s15], $0x10  }
0x5d: {  	[sflag:s15] =	ssyncset.done $0x0  }
0x5e: {  	[sflag:s15] =	ssyncadd.s32 $0xFFFFFFF0  }
0x5f: {  	[tilespmem:s21], [sflag:$0x2] =	stream.linear.gather [hbm4b:s8+s3], $0x10, $0x38;
	[tilespmem:$0x18280] =	vst v63  }
0x60: {  	_ =	swait.ge [sflag:s15], $0x10  }
0x61: {  	[sflag:s15] =	ssyncset.done $0x0  }
0x62: {  	[sflag:s15] =	ssyncadd.s32 $0xFFFFFFF0  }
0x63: {  	v1 =	vld [tilespmem:$0x4100];
	_ =	sdelay $0x4  }
0x64: {  	v1 =	vadd.s32 v0, v1  }
0x65: {  	[tilespmem:$0x4100] =	vst v1  }
0x66: {  	[tilespmem:s23], [sflag:$0x1] =	stream.indirect.gather [hbm4b:s1+s22], $0x80, s20, s22, $0xb8;
	[tilespmem:$0x18280] =	vst v63  }
0x67: {  	_ =	swait.ge [sflag:s19], $0x800  }
0x68: {  	[sflag:s19] =	ssyncset.done $0x0  }
0x69: {  	[sflag:s19] =	ssyncadd.s32 $0xFFFFF800  }
0x6a: {  	[spmem:s2] =	stream.indirect.scatter.add.f32 [tilespmem:s23], [sflag:$0x2], $0x80, s21, s22, $0xb8;
	[tilespmem:$0x18280] =	vst v63  }
0x6b: {  	_ =	swait.ge [sflag:s15], $0x800  }
0x6c: {  	[sflag:s15] =	ssyncset.done $0x0  }
0x6d: {  	[sflag:s15] =	ssyncadd.s32 $0xFFFFF800  }
0x6e: {  	[bflag:$0x0] =	sbarrier.arrive $0xFFFF  }
0x6f: {  	[hbm:s9], [sflag:s5] =	dma.local [spmem:s14], $0x2700  }
0x70: {  	s24 =	sadd.s32 $0x1, s24;
	_ =	swait.ge [sflag:s15], $0x2700  }
0x71: {  	p1 =	sne.s32 s24, s11;
	[sflag:s15] =	ssyncset.done $0x0  }
.Ltmp1:
0x72: {  	s25 =	simm.s32 @!p0 $0x2;
	[sflag:s15] =	ssyncadd.s32 $0xFFFFD900;
	(pc) =	sbr.rel @p1 .LBB2_1-.Ltmp1, $4  }
0x73: {  	[hbm:s10], [sflag:s5] =	dma.local @!p0 [spmem:s16], $0x100  }
0x74: {  	_ =	swait.ge @!p0 [sflag:s25], $0x100  }
0x75: {  	[sflag:s25] =	ssyncset.done @!p0 $0x0  }
0x76: {  	[sflag:s25] =	ssyncadd.s32 @!p0 $0xFFFFFF00  }
0x77: {  	_ =	sfence.sel $0x180000  }
0x78: {  	[bflag:$0x0] =	sbarrier.arrive $0xFFFF  }
0x79: {  	_ =	strace $0x90000047  }
0x7a: {  	s0 =	sadd.s32 @!p0 $0x100000, s0;
	[bflag:$0x2] =	sbarrier.arrive $0xFFFF  }
0x7b: {  	[sflag:s0] =	ssyncadd.tile.s32 @!p0 $0x1;
	_ =	shalt  }
.Lfunc_end2:
_tile_overlayer_lowered:
.L_overlay_start_2:
0x7c: {  	(tag) =	ssettag $0x2  }
0x7d: {  	s0 =	rddreg [dreg:$0x0];
	s2 =	stileid.u32  }
0x7e: {  	s1 =	rddreg [dreg:$0x1];
	p0 =	sne.s32 s2, $0x0  }
0x7f: {  	s3 =	rddreg [dreg:$0x2];
	[bflag:$0x3] =	sbarrier.arrive $0xFFFF;
	s2 =	simm.s32 @!p0 $0x1C02  }
0x80: {  	[timem:s3], [sflag:s2] =	dma.local @!p0 [hbm:s0], s1  }
0x81: {  	s0 =	simm.s32 @!p0 $0x2  }
0x82: {  	_ =	swait.ge @!p0 [sflag:s0], s1  }
0x83: {  	s1 =	ssub.s32 @!p0 $0x0, s1;
	[sflag:s0] =	ssyncset.done @!p0 $0x0  }
0x84: {  	[sflag:s0] =	ssyncadd.s32 @!p0 s1  }
0x85: {  	[bflag:$0x3] =	sbarrier.arrive $0xFFFF  }
0x86: {  	_ =	shalt  }

</sc_bundles>
